<compile_context>
chip_gen: v7x
topology: tpu7x:2x2x1
jax: 0.10.2.dev20260603
libtpu: 0.0.44.dev20260713+nightly
codegen_flags: <defaults>
</compile_context>

<pallas_src>
import functools

import jax
import jax.numpy as jnp
from jax import lax
from jax.experimental import pallas as pl
from jax.experimental.pallas import tpu as pltpu, tpu_sc as plsc

_LANE = 128


def kernel(rois, gt_boxes):
    B, N, C = rois.shape
    _, G, _ = gt_boxes.shape
    r_t = jnp.transpose(rois, (0, 2, 1))
    g_t = jnp.transpose(gt_boxes, (0, 2, 1))

    info = plsc.get_sparse_core_info()
    NC, NS = info.num_cores, info.num_subcores
    NW = NC * NS
    nalign = (N // _LANE) * _LANE
    ntiles = nalign // _LANE
    per_t = ntiles // NW
    rem_t = ntiles - per_t * NW
    W = per_t * _LANE
    tail = N + G - nalign

    mesh = plsc.VectorSubcoreMesh(core_axis_name="c", subcore_axis_name="s")

    @functools.partial(
        pl.kernel, mesh=mesh,
        out_type=jax.ShapeDtypeStruct((B, C, N + G), rois.dtype),
        scratch_types=[
            pltpu.VMEM((B, C, W), rois.dtype),
            pltpu.VMEM((B, C, _LANE), rois.dtype),
            pltpu.VMEM((B, C, tail), rois.dtype),
        ],
    )
    def sc_concat(r_hbm, g_hbm, o_hbm, buf, rbuf, tbuf):
        wid = lax.axis_index("s") * NC + lax.axis_index("c")
        lo = wid * W
        pltpu.sync_copy(r_hbm.at[:, :, pl.ds(lo, W)], buf)
        pltpu.sync_copy(buf, o_hbm.at[:, :, pl.ds(lo, W)])

        @pl.when(wid < rem_t)
        def _():
            rlo = (per_t * NW + wid) * _LANE
            pltpu.sync_copy(r_hbm.at[:, :, pl.ds(rlo, _LANE)], rbuf)
            pltpu.sync_copy(rbuf, o_hbm.at[:, :, pl.ds(rlo, _LANE)])

        del g_hbm, tbuf

    out_t = sc_concat(r_t, g_t)
    return jnp.transpose(out_t, (0, 2, 1))

# --- scband reference (transcript-rebuilt; emitter-appended) ---
"""Pipeline reference for scband-proposal-target-layer-2310692405256 (READ-ONLY COPY).

The authoritative reference and input builder live on the scoring server;
editing this copy changes nothing except your own understanding.
"""

import jax, jax.numpy as jnp
import numpy as np

ROI_BATCH_SIZE = 128
FG_FRACTION = 0.25
FACE_THRESH = 0.5
BG_THRESH_HI = 0.5
BG_THRESH_LO = 0.0
BBOX_INSIDE_WEIGHTS = np.array([1.0, 1.0, 1.0, 1.0], dtype=np.float32)


def setup_inputs(seed: int = 0):
    key = jax.random.key(seed)
    k1, k2, k3, k4 = jax.random.split(key, 4)
    B, N, G = 2, 20000, 50
    xy = jax.random.uniform(k1, (B, N, 2), dtype=jnp.float32) * 800.0
    wh = jax.random.uniform(k2, (B, N, 2), dtype=jnp.float32) * 160.0 + 8.0
    rois = jnp.concatenate([xy, xy + wh], axis=2)
    gxy = jax.random.uniform(k3, (B, G, 2), dtype=jnp.float32) * 800.0
    gwh = jax.random.uniform(k4, (B, G, 2), dtype=jnp.float32) * 160.0 + 8.0
    gt_boxes = jnp.concatenate([gxy, gxy + gwh], axis=2)
    return {"rois": rois, "gt_boxes": gt_boxes}


def bbox_overlaps(anchors, gt_boxes):
    ax1, ay1, ax2, ay2 = [anchors[:, :, None, i] for i in range(4)]
    gx1, gy1, gx2, gy2 = [gt_boxes[:, None, :, i] for i in range(4)]
    iw = jnp.clip(jnp.minimum(ax2, gx2) - jnp.maximum(ax1, gx1) + 1.0, 0.0)
    ih = jnp.clip(jnp.minimum(ay2, gy2) - jnp.maximum(ay1, gy1) + 1.0, 0.0)
    inter = iw * ih
    area_a = (ax2 - ax1 + 1.0) * (ay2 - ay1 + 1.0)
    area_g = (gx2 - gx1 + 1.0) * (gy2 - gy1 + 1.0)
    return inter / (area_a + area_g - inter)


def bbox_transform_batch(ex_rois, gt_rois):
    ex_w = ex_rois[:, :, 2] - ex_rois[:, :, 0] + 1.0
    ex_h = ex_rois[:, :, 3] - ex_rois[:, :, 1] + 1.0
    ex_cx = ex_rois[:, :, 0] + 0.5 * ex_w
    ex_cy = ex_rois[:, :, 1] + 0.5 * ex_h
    gt_w = gt_rois[:, :, 2] - gt_rois[:, :, 0] + 1.0
    gt_h = gt_rois[:, :, 3] - gt_rois[:, :, 1] + 1.0
    gt_cx = gt_rois[:, :, 0] + 0.5 * gt_w
    gt_cy = gt_rois[:, :, 1] + 0.5 * gt_h
    dx = (gt_cx - ex_cx) / ex_w
    dy = (gt_cy - ex_cy) / ex_h
    dw = jnp.log(gt_w / ex_w)
    dh = jnp.log(gt_h / ex_h)
    return jnp.stack((dx, dy, dw, dh), 2)


def _sample_rois(all_rois, gt_boxes, fg_rois_per_image, rois_per_image, num_classes):
    overlaps = bbox_overlaps(all_rois, gt_boxes)
    # NOTE: original code reduces over dim=1 (the proposal axis), giving per-gt max IoU
    max_overlaps = overlaps.max(axis=1)
    gt_assignment = overlaps.argmax(axis=1)
    batch_size = overlaps.shape[0]
    num_gt = overlaps.shape[2]
    rng = np.random.RandomState(0)
    labels_rows = []
    rois_rows = []
    gt_rois_rows = []
    for i in range(batch_size):
        # gt boxes are appended to the proposals, so each gt overlaps itself with
        # IoU 1.0: num_fg == num_gt and num_bg == 0 on every seed.
        fg_inds = jnp.nonzero(max_overlaps[i] >= FACE_THRESH, size=num_gt, fill_value=0)[0]
        idx = np.floor(rng.rand(rois_per_image) * num_gt).astype(np.int64)
        keep_inds = fg_inds[idx]
        labels_rows.append(jnp.ones((rois_per_image,), dtype=jnp.float32))
        rois_rows.append(all_rois[i][keep_inds])
        gt_rois_rows.append(all_rois[i][gt_assignment[i][keep_inds]])
    labels_batch = jnp.stack(labels_rows)
    rois_batch = jnp.stack(rois_rows)
    gt_rois_batch = jnp.stack(gt_rois_rows)
    targets = bbox_transform_batch(rois_batch, gt_rois_batch)
    mask = (labels_batch > 0)[:, :, None]
    bbox_targets = jnp.where(mask, targets, 0.0)
    bbox_inside_weights = jnp.where(mask, jnp.asarray(BBOX_INSIDE_WEIGHTS)[None, None, :], 0.0)
    return labels_batch, rois_batch, bbox_targets, bbox_inside_weights


def reference(rois, gt_boxes):
    all_rois = jnp.concatenate([rois, gt_boxes], axis=1)
    rois_per_image = ROI_BATCH_SIZE
    fg_rois_per_image = int(np.round(FG_FRACTION * rois_per_image))
    fg_rois_per_image = 1 if fg_rois_per_image == 0 else fg_rois_per_image
    _ = _sample_rois(all_rois, gt_boxes, fg_rois_per_image, rois_per_image, 2)
    return all_rois

if __name__ == "__main__":
    import jax
    _d = setup_inputs()
    print(jax.jit(kernel)(*tuple(_d.values())))

</pallas_src>

<mosaic_0001>
#map = affine_map<(d0, d1) -> (0, 0, 0)>
module attributes {stable_mosaic.version = 14 : i64} {
  func.func @sc_concat(%arg0: i32, %arg1: i32, %arg2: memref<2x4x20000xf32, #tpu.memory_space<hbm>>, %arg3: memref<2x4x50xf32, #tpu.memory_space<hbm>>, %arg4: memref<2x4x20050xf32, #tpu.memory_space<hbm>>, %arg5: memref<2x4x512xf32, #tpu.memory_space<vmem>>, %arg6: memref<2x4x128xf32, #tpu.memory_space<vmem>>, %arg7: memref<2x4x82xf32, #tpu.memory_space<vmem>>) attributes {dimension_semantics = [#tpu.dimension_semantics<core_parallel>, #tpu.dimension_semantics<subcore_parallel>], iteration_bounds = array<i64: 2, 16>, scalar_prefetch = 0 : i64, scratch_operands = 3 : i64, tpu.core_type = #tpu.core_type<sc_vector_subcore>, window_params = [{transform_indices = #map}, {transform_indices = #map}, {transform_indices = #map}]} {
    %mul3A = arith.constant 2 : i32
    %mul3A_0 = arith.muli %arg1, %mul3A : i32
    %add3A = arith.addi %mul3A_0, %arg0 : i32
    %mul3A_1 = arith.constant 512 : i32
    %mul3A_2 = arith.muli %add3A, %mul3A_1 : i32
    "tpu.region"() ({
      %run_scoped3A = tpu.sem_alloc : memref<!tpu.dma_semaphore, #tpu.memory_space<semaphore_mem>>
      %dma_start3A = arith.constant 0 : i32
      %dma_start3A_5 = arith.constant 0 : i32
      %dma_start3A_6 = tpu.memref_slice %arg2[%dma_start3A, %dma_start3A_5, %mul3A_2] : memref<2x4x20000xf32, #tpu.memory_space<hbm>> -> memref<2x4x512xf32, #tpu.memory_space<hbm>>
      %dma_start3A_7 = arith.constant 0 : i32
      %dma_start3A_8 = arith.constant 0 : i32
      %dma_start3A_9 = tpu.memref_slice %arg2[%dma_start3A_7, %dma_start3A_8, %mul3A_2] : memref<2x4x20000xf32, #tpu.memory_space<hbm>> -> memref<2x4x512xf32, #tpu.memory_space<hbm>>
      tpu.enqueue_dma source(%dma_start3A_9 : memref<2x4x512xf32, #tpu.memory_space<hbm>>) target(%arg5 : memref<2x4x512xf32, #tpu.memory_space<vmem>>) target_semaphore(%run_scoped3A : memref<!tpu.dma_semaphore, #tpu.memory_space<semaphore_mem>>)
      %dma_wait3A = arith.constant 0 : i32
      %dma_wait3A_10 = arith.constant 0 : i32
      %dma_wait3A_11 = tpu.memref_slice %arg2[%dma_wait3A, %dma_wait3A_10, %mul3A_2] : memref<2x4x20000xf32, #tpu.memory_space<hbm>> -> memref<2x4x512xf32, #tpu.memory_space<hbm>>
      %dma_wait3A_12 = arith.constant 0 : i32
      %dma_wait3A_13 = arith.constant 0 : i32
      %dma_wait3A_14 = tpu.memref_slice %arg2[%dma_wait3A_12, %dma_wait3A_13, %mul3A_2] : memref<2x4x20000xf32, #tpu.memory_space<hbm>> -> memref<2x4x512xf32, #tpu.memory_space<hbm>>
      tpu.wait_dma2 semaphore(%run_scoped3A : memref<!tpu.dma_semaphore, #tpu.memory_space<semaphore_mem>>) src(%dma_wait3A_14 : memref<2x4x512xf32, #tpu.memory_space<hbm>>) dst(%arg5 : memref<2x4x512xf32, #tpu.memory_space<vmem>>)
      tpu.yield
    }) : () -> ()
    "tpu.region"() ({
      %run_scoped3A = tpu.sem_alloc : memref<!tpu.dma_semaphore, #tpu.memory_space<semaphore_mem>>
      %dma_start3A = arith.constant 0 : i32
      %dma_start3A_5 = arith.constant 0 : i32
      %dma_start3A_6 = tpu.memref_slice %arg4[%dma_start3A, %dma_start3A_5, %mul3A_2] : memref<2x4x20050xf32, #tpu.memory_space<hbm>> -> memref<2x4x512xf32, #tpu.memory_space<hbm>>
      %dma_start3A_7 = arith.constant 0 : i32
      %dma_start3A_8 = arith.constant 0 : i32
      %dma_start3A_9 = tpu.memref_slice %arg4[%dma_start3A_7, %dma_start3A_8, %mul3A_2] : memref<2x4x20050xf32, #tpu.memory_space<hbm>> -> memref<2x4x512xf32, #tpu.memory_space<hbm>>
      tpu.enqueue_dma source(%arg5 : memref<2x4x512xf32, #tpu.memory_space<vmem>>) target(%dma_start3A_9 : memref<2x4x512xf32, #tpu.memory_space<hbm>>) target_semaphore(%run_scoped3A : memref<!tpu.dma_semaphore, #tpu.memory_space<semaphore_mem>>)
      %dma_wait3A = arith.constant 0 : i32
      %dma_wait3A_10 = arith.constant 0 : i32
      %dma_wait3A_11 = tpu.memref_slice %arg4[%dma_wait3A, %dma_wait3A_10, %mul3A_2] : memref<2x4x20050xf32, #tpu.memory_space<hbm>> -> memref<2x4x512xf32, #tpu.memory_space<hbm>>
      %dma_wait3A_12 = arith.constant 0 : i32
      %dma_wait3A_13 = arith.constant 0 : i32
      %dma_wait3A_14 = tpu.memref_slice %arg4[%dma_wait3A_12, %dma_wait3A_13, %mul3A_2] : memref<2x4x20050xf32, #tpu.memory_space<hbm>> -> memref<2x4x512xf32, #tpu.memory_space<hbm>>
      tpu.wait_dma2 semaphore(%run_scoped3A : memref<!tpu.dma_semaphore, #tpu.memory_space<semaphore_mem>>) src(%arg5 : memref<2x4x512xf32, #tpu.memory_space<vmem>>) dst(%dma_wait3A_14 : memref<2x4x512xf32, #tpu.memory_space<hbm>>)
      tpu.yield
    }) : () -> ()
    %lt3A = arith.constant 28 : i32
    %lt3A_3 = arith.cmpi slt, %add3A, %lt3A : i32
    %convert_element_type3A = arith.extui %lt3A_3 : i1 to i32
    %cond3A = arith.constant 0 : i32
    %cond3A_4 = arith.cmpi ne, %convert_element_type3A, %cond3A : i32
    scf.if %cond3A_4 {
      %add3A_5 = arith.constant 128 : i32
      %add3A_6 = arith.addi %add3A_5, %add3A : i32
      %mul3A_7 = arith.constant 128 : i32
      %mul3A_8 = arith.muli %add3A_6, %mul3A_7 : i32
      "tpu.region"() ({
        %run_scoped3A = tpu.sem_alloc : memref<!tpu.dma_semaphore, #tpu.memory_space<semaphore_mem>>
        %dma_start3A = arith.constant 0 : i32
        %dma_start3A_9 = arith.constant 0 : i32
        %dma_start3A_10 = tpu.memref_slice %arg2[%dma_start3A, %dma_start3A_9, %mul3A_8] : memref<2x4x20000xf32, #tpu.memory_space<hbm>> -> memref<2x4x128xf32, #tpu.memory_space<hbm>>
        %dma_start3A_11 = arith.constant 0 : i32
        %dma_start3A_12 = arith.constant 0 : i32
        %dma_start3A_13 = tpu.memref_slice %arg2[%dma_start3A_11, %dma_start3A_12, %mul3A_8] : memref<2x4x20000xf32, #tpu.memory_space<hbm>> -> memref<2x4x128xf32, #tpu.memory_space<hbm>>
        tpu.enqueue_dma source(%dma_start3A_13 : memref<2x4x128xf32, #tpu.memory_space<hbm>>) target(%arg6 : memref<2x4x128xf32, #tpu.memory_space<vmem>>) target_semaphore(%run_scoped3A : memref<!tpu.dma_semaphore, #tpu.memory_space<semaphore_mem>>)
        %dma_wait3A = arith.constant 0 : i32
        %dma_wait3A_14 = arith.constant 0 : i32
        %dma_wait3A_15 = tpu.memref_slice %arg2[%dma_wait3A, %dma_wait3A_14, %mul3A_8] : memref<2x4x20000xf32, #tpu.memory_space<hbm>> -> memref<2x4x128xf32, #tpu.memory_space<hbm>>
        %dma_wait3A_16 = arith.constant 0 : i32
        %dma_wait3A_17 = arith.constant 0 : i32
        %dma_wait3A_18 = tpu.memref_slice %arg2[%dma_wait3A_16, %dma_wait3A_17, %mul3A_8] : memref<2x4x20000xf32, #tpu.memory_space<hbm>> -> memref<2x4x128xf32, #tpu.memory_space<hbm>>
        tpu.wait_dma2 semaphore(%run_scoped3A : memref<!tpu.dma_semaphore, #tpu.memory_space<semaphore_mem>>) src(%dma_wait3A_18 : memref<2x4x128xf32, #tpu.memory_space<hbm>>) dst(%arg6 : memref<2x4x128xf32, #tpu.memory_space<vmem>>)
        tpu.yield
      }) : () -> ()
      "tpu.region"() ({
        %run_scoped3A = tpu.sem_alloc : memref<!tpu.dma_semaphore, #tpu.memory_space<semaphore_mem>>
        %dma_start3A = arith.constant 0 : i32
        %dma_start3A_9 = arith.constant 0 : i32
        %dma_start3A_10 = tpu.memref_slice %arg4[%dma_start3A, %dma_start3A_9, %mul3A_8] : memref<2x4x20050xf32, #tpu.memory_space<hbm>> -> memref<2x4x128xf32, #tpu.memory_space<hbm>>
        %dma_start3A_11 = arith.constant 0 : i32
        %dma_start3A_12 = arith.constant 0 : i32
        %dma_start3A_13 = tpu.memref_slice %arg4[%dma_start3A_11, %dma_start3A_12, %mul3A_8] : memref<2x4x20050xf32, #tpu.memory_space<hbm>> -> memref<2x4x128xf32, #tpu.memory_space<hbm>>
        tpu.enqueue_dma source(%arg6 : memref<2x4x128xf32, #tpu.memory_space<vmem>>) target(%dma_start3A_13 : memref<2x4x128xf32, #tpu.memory_space<hbm>>) target_semaphore(%run_scoped3A : memref<!tpu.dma_semaphore, #tpu.memory_space<semaphore_mem>>)
        %dma_wait3A = arith.constant 0 : i32
        %dma_wait3A_14 = arith.constant 0 : i32
        %dma_wait3A_15 = tpu.memref_slice %arg4[%dma_wait3A, %dma_wait3A_14, %mul3A_8] : memref<2x4x20050xf32, #tpu.memory_space<hbm>> -> memref<2x4x128xf32, #tpu.memory_space<hbm>>
        %dma_wait3A_16 = arith.constant 0 : i32
        %dma_wait3A_17 = arith.constant 0 : i32
        %dma_wait3A_18 = tpu.memref_slice %arg4[%dma_wait3A_16, %dma_wait3A_17, %mul3A_8] : memref<2x4x20050xf32, #tpu.memory_space<hbm>> -> memref<2x4x128xf32, #tpu.memory_space<hbm>>
        tpu.wait_dma2 semaphore(%run_scoped3A : memref<!tpu.dma_semaphore, #tpu.memory_space<semaphore_mem>>) src(%arg6 : memref<2x4x128xf32, #tpu.memory_space<vmem>>) dst(%dma_wait3A_18 : memref<2x4x128xf32, #tpu.memory_space<hbm>>)
        tpu.yield
      }) : () -> ()
    } else {
    }
    return
  }
}

</mosaic_0001>

<sc_bundles>
// kernel: kernel.3.cloned.1.call-start
scs
__scs_entry_jumppad:
0x0: {  	(pc) =	sbr.rel $0x88, $3  }
0x1: {  	(tag) =	ssettag $0x0;
	lr =	simm.s32 $0x1  }
0x2: {  	[smem:$0x3F9F] =	sst lr;
	_ =	strace $0xD0000000  }
0x3: {  	_ = 	snop  }
0x4: {  	_ = 	snop  }
0x5: {  	_ = 	snop  }
0x6: {  	_ = 	snop  }
0x7: {  	_ = 	snop  }
__scs_overlays_trampoline_lowered:
0x8: {  	[smem:$0x3FAE] =	sst s0  }
0x9: {  	[smem:$0x3FAF] =	sst s1  }
0xa: {  	[smem:$0x3FB0] =	sst s2  }
0xb: {  	[smem:$0x3FB1] =	sst s3  }
0xc: {  	[smem:$0x3FB2] =	sst s4  }
0xd: {  	[smem:$0x3FB3] =	sst s5  }
0xe: {  	[smem:$0x3FB4] =	sst s6  }
0xf: {  	[smem:$0x3FB5] =	sst s7  }
0x10: {  	[smem:$0x3FB6] =	sst s8  }
0x11: {  	[smem:$0x3FB7] =	sst s9;
	s0 =	simm.s32 @!p0 $0x0  }
0x12: {  	s1 =	sld [smem:$0x3F9D];
	s0 =	simm.s32 @p0 $0x1  }
0x13: {  	[smem:$0x3FB8] =	sst s0;
	s0 =	simm.s32 @!p1 $0x0  }
0x14: {  	s2 =	sld [smem:$0x3F9C];
	s0 =	simm.s32 @p1 $0x1  }
0x15: {  	[smem:$0x3FB9] =	sst s0;
	s0 =	simm.s32 @!p2 $0x0  }
0x16: {  	s3 =	sld [smem:$0x3FDB];
	s0 =	simm.s32 @p2 $0x1  }
0x17: {  	s4 =	simm.s32 $0x1BF5;
	[smem:$0x3FBB] =	sst s0  }
0x18: {  	s0 =	sld [smem:$0x3F9E];
	_ =	swait.ge [sflag:s4], $0x0  }
0x19: {  	s7 =	sld [smem:$0x3F9F]  }
0x1a: {  	s8 =	sadd.s32 $0xFFFFE003, lr  }
0x1b: {  	s9 =	sadd.s32 $0xFFFFFEF7, lr;
	s5 =	simm.s32 $0xFFFFFFFF;
	p2 =	slt.u32 s8, $0xFFFFF086  }
0x1c: {  	p1 =	slt.u32 s9, $0xF7A;
	s5 =	simm.s32 @!p2 $0x0  }
0x1d: {  	s5 =	simm.s32 @p1 $0x1;
	p0 =	seq.s32 s7, s2  }
0x1e: {  	s7 =	smul.u32 @!p0 $0xF7A, s2;
	p2 =	seq.s32 @!p0 s5, $0x0  }
0x1f: {  	s9 =	smul.u32 $0xF7A, s1;
	s8 =	simm.s32 @!p0 $0x1BF5;
	p2 =	por !p2, p0  }
0x20: {  	[sflag:s8] =	ssyncset.s32 @!p0 $0xFFFFF086;
	s6 =	sadd.s32 @!p0 s3, s7;
	s7 =	simm.s32 @!p0 $0x108  }
0x21: {  	s3 =	sadd.s32 s3, s9;
	s6 =	sadd.s32 @!p0 $0x88, s6;
	s7 =	simm.s32 @p2 $0x1082  }
0x22: {  	[simem:s7], [sflag:s8] =	dma.local @!p0 [hbm:s6], $0xF7A  }
0x23: {  	s9 =	sor.u32 $0xD0000000, s2;
	s6 =	simm.s32 $0x108;
	_ =	swait.ge @!p0 [sflag:s8], $0x0  }
0x24: {  	s3 =	sadd.s32 $0x88, s3;
	s6 =	simm.s32 @!p1 $0x1082;
	[sflag:s4] =	ssyncset.s32 $0xFFFFF086  }
0x25: {  	[simem:s6], [sflag:s4] =	dma.local [hbm:s3], $0xF7A  }
0x26: {  	[smem:$0x3F9F] =	sst s1;
	(tag) =	ssettag s2;
	_ =	strace s9  }
0x27: {  	s1 =	sld [smem:$0x3FAF]  }
0x28: {  	s2 =	sld [smem:$0x3FB0]  }
0x29: {  	s4 =	sld [smem:$0x3FB2]  }
0x2a: {  	p0 =	seq.s32 s5, $0x0;
	s5 =	sld [smem:$0x3FB3]  }
0x2b: {  	s6 =	sld [smem:$0x3FB4]  }
0x2c: {  	s7 =	sld [smem:$0x3FB5]  }
0x2d: {  	s3 =	simm.s32 $0x108;
	s8 =	sld [smem:$0x3FB6]  }
0x2e: {  	s3 =	simm.s32 @!p0 $0x1082;
	s9 =	sld [smem:$0x3FB7]  }
0x2f: {  	lr =	sadd.s32 s0, s3;
	s0 =	sld [smem:$0x3FAE]  }
0x30: {  	s3 =	sld [smem:$0x3FB1]  }
0x31: {  	[smem:$0x3FBA] =	sst s10  }
0x32: {  	s10 =	sld [smem:$0x3FB8];
	_ =	sdelay $0x3  }
0x33: {  	p0 =	seq.s32 s10, $0x1;
	s10 =	sld [smem:$0x3FBA];
	_ =	sdelay $0x3  }
0x34: {  	[smem:$0x3FBA] =	sst s10  }
0x35: {  	s10 =	sld [smem:$0x3FB9];
	_ =	sdelay $0x3  }
0x36: {  	p1 =	seq.s32 s10, $0x1;
	s10 =	sld [smem:$0x3FBA];
	_ =	sdelay $0x3  }
0x37: {  	[smem:$0x3FBA] =	sst s10  }
0x38: {  	s10 =	sld [smem:$0x3FBB]  }
0x39: {  	_ = 	snop;
	(pc) =	sbr.ind lr, $3  }
0x3a: {  	_ = 	snop  }
0x3b: {  	_ = 	snop  }
0x3c: {  	p2 =	seq.s32 s10, $0x1;
	s10 =	sld [smem:$0x3FBA]  }
0x3d: {  	_ =	shalt  }
0x3e: {  	_ =	shalt  }
0x3f: {  	_ =	shalt  }
0x40: {  	_ =	shalt  }
0x41: {  	_ =	shalt  }
0x42: {  	_ =	shalt  }
0x43: {  	_ =	shalt  }
0x44: {  	_ =	shalt  }
0x45: {  	_ =	shalt  }
0x46: {  	_ =	shalt  }
0x47: {  	_ =	shalt  }
0x48: {  	_ =	shalt  }
0x49: {  	_ =	shalt  }
0x4a: {  	_ =	shalt  }
0x4b: {  	_ =	shalt  }
0x4c: {  	_ =	shalt  }
0x4d: {  	_ =	shalt  }
0x4e: {  	_ =	shalt  }
0x4f: {  	_ =	shalt  }
0x50: {  	_ =	shalt  }
0x51: {  	_ =	shalt  }
0x52: {  	_ =	shalt  }
0x53: {  	_ =	shalt  }
0x54: {  	_ =	shalt  }
0x55: {  	_ =	shalt  }
0x56: {  	_ =	shalt  }
0x57: {  	_ =	shalt  }
0x58: {  	_ =	shalt  }
0x59: {  	_ =	shalt  }
0x5a: {  	_ =	shalt  }
0x5b: {  	_ =	shalt  }
0x5c: {  	_ =	shalt  }
0x5d: {  	_ =	shalt  }
0x5e: {  	_ =	shalt  }
0x5f: {  	_ =	shalt  }
0x60: {  	_ =	shalt  }
0x61: {  	_ =	shalt  }
0x62: {  	_ =	shalt  }
0x63: {  	_ =	shalt  }
0x64: {  	_ =	shalt  }
0x65: {  	_ =	shalt  }
0x66: {  	_ =	shalt  }
0x67: {  	_ =	shalt  }
0x68: {  	_ =	shalt  }
0x69: {  	_ =	shalt  }
0x6a: {  	_ =	shalt  }
0x6b: {  	_ =	shalt  }
0x6c: {  	_ =	shalt  }
0x6d: {  	_ =	shalt  }
0x6e: {  	_ =	shalt  }
0x6f: {  	_ =	shalt  }
0x70: {  	_ =	shalt  }
0x71: {  	_ =	shalt  }
0x72: {  	_ =	shalt  }
0x73: {  	_ =	shalt  }
0x74: {  	_ =	shalt  }
0x75: {  	_ =	shalt  }
0x76: {  	_ =	shalt  }
0x77: {  	_ =	shalt  }
0x78: {  	_ =	shalt  }
0x79: {  	_ =	shalt  }
0x7a: {  	_ =	shalt  }
0x7b: {  	_ =	shalt  }
0x7c: {  	_ =	shalt  }
0x7d: {  	_ =	shalt  }
0x7e: {  	_ =	shalt  }
0x7f: {  	_ =	shalt  }
0x80: {  	_ =	shalt  }
0x81: {  	_ =	shalt  }
0x82: {  	_ =	shalt  }
0x83: {  	_ =	shalt  }
0x84: {  	_ =	shalt  }
0x85: {  	_ =	shalt  }
0x86: {  	_ =	shalt  }
0x87: {  	_ =	shalt  }
.Lfunc_end0:
.L_simem_size_0:
called_computation_lowered:
.L_overlay_start_0:
0x88: {  	s2 =	sld [smem:$0x3FD9]  }
0x89: {  	s3 =	sld [smem:$0x3FFE];
	_ =	sdelay $0x1  }
0x8a: {  	s1 =	srdreg.scid  }
0x8b: {  	s0 =	sand.u32 $0x1, s1  }
0x8c: {  	s18 =	sshll.u32 s0, $0xA;
	s2 =	sadd.s32 s3, s2  }
0x8d: {  	s2 =	sadd.s32 s2, s18  }
0x8e: {  	[smem:$0x3FC6] =	sst s2  }
0x8f: {  	_ = 	snop  }
0x90: {  	s2 =	sld [smem:$0x3FC9]  }
0x91: {  	s19 =	sld [smem:$0x3FD0];
	(tm) =	ssettm $0x1  }
0x92: {  	s4 =	sld [smem:$0x3FFB];
	_ =	sdelay $0x3  }
0x93: {  	_ =	strace s4  }
0x94: {  	s4 =	sld [smem:$0x3FFC];
	_ =	sdelay $0x3  }
0x95: {  	_ =	strace s4  }
0x96: {  	s4 =	sld [smem:$0x3FFD];
	_ =	sdelay $0x3  }
0x97: {  	_ =	strace s4  }
0x98: {  	_ =	strace $0x8FFFFFFF  }
0x99: {  	s20 =	sld [smem:$0x3FDB];
	_ =	sdelay $0x1  }
0x9a: {  	s5 =	simm.s32 $_scs_section_size  }
0x9b: {  	s6 =	simm.s32 $_size__tile_overlayer_lowered;
	s7 =	simm.s32 $_tile_overlayer_lowered  }
0x9c: {  	s23 =	simm.s32 $0x1BFF;
	s22 =	sshll.u32 s7, $0x1;
	s4 =	sadd.s32 s5, s20  }
0x9d: {  	s8 =	simm.s32 $0x0;
	s21 =	sshll.u32 s6, $0x1;
	s6 =	sadd.s32 s22, s4  }
0x9e: {  	[timem:s8], [sflag:s23] =	dma.local [hbm:s6], s21  }
0x9f: {  	_ =	swait.ge [sflag:s23], s21  }
0xa0: {  	s5 =	ssub.s32 $0x0, s21;
	[sflag:s23] =	ssyncset.done $0x0  }
0xa1: {  	[sflag:s23] =	ssyncadd.s32 s5;
	_ =	sdelay $0x1  }
0xa2: {  	s24 =	simm.s32 $0x1B8B  }
0xa3: {  	_ =	swait.ge [sflag:s24], $0x1  }
0xa4: {  	[sflag:s24] =	ssyncset.done $0x0  }
0xa5: {  	s25 =	simm.s32 $0x1B8E;
	[sflag:s24] =	ssyncadd.s32 $0xFFFFFFFF  }
0xa6: {  	s26 =	simm.s32 $execute0_lowered;
	[smem:$0x3FD2] =	sst s25  }
0xa7: {  	s5 =	sshll.u32 s26, $0x1;
	_ =	strace $0x80000046;
	[dreg:$0x1] =	wrdreg $0xFFFFFFFF  }
0xa8: {  	s28 =	simm.s32 $_size_execute0_lowered;
	s4 =	sadd.s32 s4, s5;
	[dreg:$0x0] =	wrdreg $0x0  }
0xa9: {  	s5 =	sshll.u32 s28, $0x1;
	[dreg:$0x2] =	wrdreg s4  }
0xaa: {  	[dreg:$0x3] =	wrdreg s5  }
0xab: {  	[dreg:$0x4] =	wrdreg $0xC0  }
0xac: {  	_ =	task [dreg:s8], $0x5FFFF  }
0xad: {  	[dreg:$0x1] =	wrdreg $0xFFFFFFFF  }
0xae: {  	[dreg:$0x0] =	wrdreg $0x60  }
0xaf: {  	[dreg:$0x2] =	wrdreg s2  }
0xb0: {  	[dreg:$0x3] =	wrdreg s19  }
0xb1: {  	[dreg:$0x4] =	wrdreg $0x9  }
0xb2: {  	_ =	task.clear_ibuf [dreg:s8], $0x5FFFF;
	_ =	strace $0x90000046  }
0xb3: {  	s29 =	simm.s32 $0x9;
	_ =	strace $0x80000048  }
0xb4: {  	_ =	swait.ge [sflag:s29], $0x1  }
0xb5: {  	[sflag:s29] =	ssyncadd.s32 $0xFFFFFFFF  }
0xb6: {  	_ =	strace $0x90000048  }
0xb7: {  	_ =	sfence  }
0xb8: {  	s30 =	sld [smem:$0x0];
	_ =	sdelay $0x2  }
0xb9: {  	s31 =	sshll.u32 s1, $0xD;
	s1 =	sshrl.u32 s1, $0x2  }
0xba: {  	s3 =	sand.u32 $0x4000, s31;
	s1 =	sadd.s32 s1, s30  }
0xbb: {  	s0 =	sor.u32 s3, s0;
	s1 =	sshll.u32 s1, $0x11  }
0xbc: {  	s0 =	sor.u32 s1, s0  }
0xbd: {  	s0 =	sadd.s32 $0x8F2B, s0  }
0xbe: {  	[sflag:s0] =	ssyncadd.remote.s32 $0x1  }
0xbf: {  	_ =	sfence.sel $0xFFFF  }
0xc0: {  	[dreg:$0x0] =	wrdreg $0xFFFFFFFF;
	(pc) =	sbr.abs _section_cstart, $3  }
0xc1: {  	[dreg:$0x1] =	wrdreg $0xFFFFFFFF  }
0xc2: {  	_ =	task.clear_ibuf [dreg:s8], $0x2FFFF;
	_ =	strace $0x9FFFFFFF  }
0xc3: {  	(tm) =	ssettm $0x7FFFFFFF  }
tec
execute0_lowered:
.L_overlay_start_1:
0x0: {  	(tag) =	ssettag $0x1  }
0x1: {  	s8 =	rddreg [dreg:$0x0]  }
0x2: {  	s1 =	srdreg.scid;
	s0 =	stileid.u32  }
0x3: {  	s13 =	rddreg [dreg:$0x1];
	s2 =	simm.s32 $0x0;
	s4 =	simm.s32 $0x800  }
0x4: {  	s5 =	simm.s32 $0x13A00;
	s7 =	sand.u32 $0x1, s1;
	s3 =	sshll.u32 s0, $0x1  }
0x5: {  	s6 =	simm.s32 $0x1;
	s1 =	rddreg [dreg:$0x2];
	s9 =	sor.u32 s7, s3  }
0x6: {  	[smem:$0x7FF] =	sst s2;
	p0 =	sgt.u32 s0, $0xD;
	s10 =	sshll.u32 s9, $0x8  }
0x7: {  	_ =	strace $0x80000047;
	s14 =	ssub.s32 $0x2, s7;
	s3 =	sadd.s32 s8, s10  }
0x8: {  	[tilespmem:s2], [sflag:$0x1] =	stream.strided.gather [hbm4b:s3+s4], $0x1000, s5, s4, $0x38;
	[tilespmem:$0x1400] =	vst v63  }
0x9: {  	s11 =	simm.s32 @!p0 $0x200;
	s12 =	simm.s32 @!p0 $0x13A00;
	_ =	swait.ge [sflag:s6], $0x1000  }
0xa: {  	s15 =	sshrl.u32 s14, $0x1;
	s9 =	sshll.u32 s9, $0x6;
	[sflag:s6] =	ssyncset.done $0x0  }
0xb: {  	s7 =	sadd.s32 s13, s10;
	s16 =	sor.u32 $0x2000, s9;
	[sflag:s6] =	ssyncadd.s32 $0xFFFFF000  }
0xc: {  	[hbm4b:s7+s4] =	stream.strided.scatter [tilespmem:s2], [sflag:$0x1], $0x1000, s5, s4, $0x38;
	[tilespmem:$0x1400] =	vst v63  }
0xd: {  	s10 =	simm.s32 @!p0 $0x1000;
	s14 =	ssub.s32 s14, s15;
	_ =	swait.ge [sflag:s6], $0x1000  }
0xe: {  	s9 =	simm.s32 @!p0 $0x1;
	s14 =	smax.u32 s14, $0x1;
	[sflag:s6] =	ssyncset.done $0x0  }
0xf: {  	s8 =	sadd.s32 s8, s16;
	s14 =	sadd.s32 $0xFFFFFFFF, s14;
	[sflag:s6] =	ssyncadd.s32 $0xFFFFF000  }
0x10: {  	[tilespmem:s10], [sflag:$0x1] =	stream.strided.gather @!p0 [hbm4b:s8+s11], $0x400, s12, s11, $0x38;
	[tilespmem:$0x1400] =	vst v63  }
0x11: {  	p1 =	sne.s32 s14, $0x0;
	_ =	swait.ge @!p0 [sflag:s9], $0x400  }
.Ltmp0:
0x12: {  	[sflag:s9] =	ssyncset.done @!p0 $0x0;
	(pc) =	sbr.rel @!p1 .LBB2_2-.Ltmp0, $4  }
0x13: {  	s13 =	sadd.s32 s13, s16;
	[sflag:s9] =	ssyncadd.s32 @!p0 $0xFFFFFC00  }
0x14: {  	[hbm4b:s13+s11] =	stream.strided.scatter @!p0 [tilespmem:s10], [sflag:$0x1], $0x400, s12, s11, $0x38;
	[tilespmem:$0x1400] =	vst v63  }
0x15: {  	_ =	swait.ge @!p0 [sflag:s9], $0x400  }
0x16: {  	[sflag:s9] =	ssyncset.done @!p0 $0x0  }
.LBB2_1:
0x17: {  	s14 =	sadd.s32 $0xFFFFFFFF, s14;
	[sflag:s9] =	ssyncadd.s32 @!p0 $0xFFFFFC00  }
0x18: {  	[tilespmem:s2], [sflag:$0x1] =	stream.strided.gather [hbm4b:s3+s4], $0x1000, s5, s4, $0x38;
	[tilespmem:$0x1400] =	vst v63  }
0x19: {  	p1 =	sne.s32 s14, $0x0;
	_ =	swait.ge [sflag:s6], $0x1000  }
0x1a: {  	[sflag:s6] =	ssyncset.done $0x0  }
0x1b: {  	[sflag:s6] =	ssyncadd.s32 $0xFFFFF000  }
0x1c: {  	[hbm4b:s7+s4] =	stream.strided.scatter [tilespmem:s2], [sflag:$0x1], $0x1000, s5, s4, $0x38;
	[tilespmem:$0x1400] =	vst v63  }
0x1d: {  	_ =	swait.ge [sflag:s6], $0x1000  }
0x1e: {  	[sflag:s6] =	ssyncset.done $0x0  }
0x1f: {  	[sflag:s6] =	ssyncadd.s32 $0xFFFFF000  }
0x20: {  	[tilespmem:s10], [sflag:$0x1] =	stream.strided.gather @!p0 [hbm4b:s8+s11], $0x400, s12, s11, $0x38;
	[tilespmem:$0x1400] =	vst v63  }
0x21: {  	_ =	swait.ge @!p0 [sflag:s9], $0x400  }
.Ltmp1:
0x22: {  	[sflag:s9] =	ssyncset.done @!p0 $0x0;
	(pc) =	sbr.rel @p1 .LBB2_1-.Ltmp1, $4  }
0x23: {  	[sflag:s9] =	ssyncadd.s32 @!p0 $0xFFFFFC00  }
0x24: {  	[hbm4b:s13+s11] =	stream.strided.scatter @!p0 [tilespmem:s10], [sflag:$0x1], $0x400, s12, s11, $0x38;
	[tilespmem:$0x1400] =	vst v63  }
0x25: {  	_ =	swait.ge @!p0 [sflag:s9], $0x400  }
0x26: {  	[sflag:s9] =	ssyncset.done @!p0 $0x0  }
.LBB2_2:
0x27: {  	[sflag:s9] =	ssyncadd.s32 @!p0 $0xFFFFFC00  }
0x28: {  	_ =	sfence.sel $0x180000  }
0x29: {  	[bflag:$0x0] =	sbarrier.arrive $0xFFFF  }
0x2a: {  	p0 =	sne.s32 s0, $0x0;
	_ =	strace $0x90000047  }
0x2b: {  	s0 =	sadd.s32 @!p0 $0x100000, s1;
	[bflag:$0x2] =	sbarrier.arrive $0xFFFF  }
0x2c: {  	[sflag:s0] =	ssyncadd.tile.s32 @!p0 $0x1;
	_ =	shalt  }
.Lfunc_end2:
_tile_overlayer_lowered:
.L_overlay_start_2:
0x2d: {  	(tag) =	ssettag $0x2  }
0x2e: {  	s0 =	rddreg [dreg:$0x0];
	s2 =	stileid.u32  }
0x2f: {  	s1 =	rddreg [dreg:$0x1];
	p0 =	sne.s32 s2, $0x0  }
0x30: {  	s3 =	rddreg [dreg:$0x2];
	[bflag:$0x3] =	sbarrier.arrive $0xFFFF;
	s2 =	simm.s32 @!p0 $0x1C01  }
0x31: {  	[timem:s3], [sflag:s2] =	dma.local @!p0 [hbm:s0], s1  }
0x32: {  	s0 =	simm.s32 @!p0 $0x1  }
0x33: {  	_ =	swait.ge @!p0 [sflag:s0], s1  }
0x34: {  	s1 =	ssub.s32 @!p0 $0x0, s1;
	[sflag:s0] =	ssyncset.done @!p0 $0x0  }
0x35: {  	[sflag:s0] =	ssyncadd.s32 @!p0 s1  }
0x36: {  	[bflag:$0x3] =	sbarrier.arrive $0xFFFF  }
0x37: {  	_ =	shalt  }

</sc_bundles>
